<compile_context>
chip_gen: v7x
topology: tpu7x:2x2x1
jax: 0.10.2.dev20260603
libtpu: 0.0.44.dev20260713+nightly
codegen_flags: <defaults>
</compile_context>

<pallas_src>
import functools

import jax
import jax.numpy as jnp
from jax import lax
from jax.experimental import pallas as pl
from jax.experimental.pallas import tpu as pltpu
from jax.experimental.pallas import tpu_sc as plsc

KK = 8192
DD = 32
NN = 8192
BN = 512
NB = NN // BN

NUM_WORKERS = 32
CH = NN // NUM_WORKERS



def _argmin_body(x_ref, sz_ref, w_ref, sw_ref, tok_ref):
    x = x_ref[...]
    w = w_ref[...]
    sz = sz_ref[...]
    sw = sw_ref[...]
    mm = lax.dot_general(x, w, (((1,), (1,)), ((), ())),
                         preferred_element_type=jnp.float32)
    d = (sz + sw) - 2.0 * mm
    minv = jnp.min(d, axis=1, keepdims=True)
    ii = lax.broadcasted_iota(jnp.int32, (BN, KK), 1)
    idx = jnp.min(jnp.where(d == minv, ii, jnp.int32(KK)), axis=1)
    tok_ref[0, 0, :] = idx


def _tokens(zf, sz, w, sw):
    tok3 = pl.pallas_call(
        _argmin_body,
        grid=(NB,),
        in_specs=[
            pl.BlockSpec((BN, DD), lambda i: (i, 0)),
            pl.BlockSpec((BN, 1), lambda i: (i, 0)),
            pl.BlockSpec((KK, DD), lambda i: (0, 0)),
            pl.BlockSpec((1, KK), lambda i: (0, 0)),
        ],
        out_specs=pl.BlockSpec((1, 1, BN), lambda i: (i, 0, 0)),
        out_shape=jax.ShapeDtypeStruct((NB, 1, BN), jnp.int32),
    )(zf, sz, w, sw)
    return tok3.reshape(NN)



def _fill(ref, rows, value):
    def body(i, carry):
        ref[i, :] = jnp.full((16,), value, jnp.float32)
        return carry
    lax.fori_loop(0, rows, body, 0)


def _sc_body(emb_hbm, tok_hbm, zq_hbm, hist_hbm,
             idx_v, rows_v, const_v, shared_hist, sem):
    cid = lax.axis_index("c")
    sid = lax.axis_index("s")
    wid = sid * 2 + cid
    base = wid * CH
    pltpu.sync_copy(tok_hbm.at[pl.ds(base, CH)], idx_v)
    pltpu.async_copy(emb_hbm.at[idx_v], rows_v, sem).wait()
    pltpu.sync_copy(rows_v, zq_hbm.at[pl.ds(base, CH)])
    zbase = sid * (KK // 16)
    _fill(const_v, CH, 0.0)
    pltpu.sync_copy(const_v, shared_hist.at[pl.ds(zbase, CH)])
    pltpu.sync_copy(const_v, shared_hist.at[pl.ds(zbase + CH, CH)])
    plsc.subcore_barrier()
    _fill(const_v, CH, 1.0)
    pltpu.sync_copy(const_v, shared_hist.at[idx_v], add=True)
    plsc.subcore_barrier()
    pltpu.sync_copy(shared_hist.at[pl.ds(zbase, CH)],
                    hist_hbm.at[cid, pl.ds(zbase, CH)])
    pltpu.sync_copy(shared_hist.at[pl.ds(zbase + CH, CH)],
                    hist_hbm.at[cid, pl.ds(zbase + CH, CH)])


def _gather_hist(emb, token):
    mesh = plsc.VectorSubcoreMesh(core_axis_name="c", subcore_axis_name="s")
    f = functools.partial(
        pl.kernel,
        mesh=mesh,
        compiler_params=pltpu.CompilerParams(use_tc_tiling_on_sc=False),
        out_type=[
            jax.ShapeDtypeStruct((NN, DD), jnp.float32),
            jax.ShapeDtypeStruct((2, KK, 16), jnp.float32),
        ],
        scratch_types=[
            pltpu.VMEM((CH,), jnp.int32),
            pltpu.VMEM((CH, DD), jnp.float32),
            pltpu.VMEM((CH, 16), jnp.float32),
            pltpu.VMEM_SHARED((KK, 16), jnp.float32),
            pltpu.SemaphoreType.DMA,
        ],
    )(_sc_body)
    return f(emb, token)



def _stats_body(zf_ref, zq_ref, hist_ref, st_ref,
                loss_ref, qe_ref, util_ref, perp_ref):
    zf = zf_ref[...]
    zq = zq_ref[...]
    dsq = (zq - zf) ** 2
    s = jnp.sum(dsq)
    m = s / jnp.float32(NN * DD)
    loss_ref[...] = jnp.reshape(0.25 * m + m, (1, 1))
    qe_ref[...] = jnp.reshape(s / jnp.float32(NN), (1, 1))
    h = hist_ref[0, :, 0:1] + hist_ref[1, :, 0:1]
    util_ref[...] = jnp.reshape(
        jnp.sum((h > 0).astype(jnp.float32)) / jnp.float32(KK), (1, 1))
    p = h / jnp.sum(h)
    perp_ref[...] = jnp.reshape(
        jnp.exp(-jnp.sum(p * jnp.log(p + 1e-10))), (1, 1))
    st_ref[...] = zf + (zq - zf)


def _stats(zf, zq, hist):
    return pl.pallas_call(
        _stats_body,
        out_shape=[
            jax.ShapeDtypeStruct((NN, DD), jnp.float32),
            jax.ShapeDtypeStruct((1, 1), jnp.float32),
            jax.ShapeDtypeStruct((1, 1), jnp.float32),
            jax.ShapeDtypeStruct((1, 1), jnp.float32),
            jax.ShapeDtypeStruct((1, 1), jnp.float32),
        ],
    )(zf, zq, hist)



def kernel(z, emb_weight):
    zp = jnp.transpose(z, (0, 2, 3, 1))
    zf = zp.reshape(NN, DD)
    sz = jnp.sum(zf ** 2, axis=1, keepdims=True)
    sw = jnp.sum(emb_weight ** 2, axis=1)
    token = _tokens(zf, sz, emb_weight, sw.reshape(1, KK))
    zq, hist = _gather_hist(emb_weight, token)
    st, loss, qe, util, perp = _stats(zf, zq, hist)
    out = jnp.transpose(st.reshape(zp.shape), (0, 3, 1, 2))
    return (out, loss[0, 0], qe[0, 0], util[0, 0], perp[0, 0])

# --- scband reference (transcript-rebuilt; emitter-appended) ---
"""Pipeline reference for scband-vanilla-quantizer-17995912970290 (READ-ONLY COPY).

The authoritative reference and input builder live on the scoring server;
editing this copy changes nothing except your own understanding.
"""

import jax, jax.numpy as jnp
import numpy as np

K = 8192
D = 32
BETA = 0.25
ALPHA = 1.0

def setup_inputs(seed: int = 0) -> dict:
    key = jax.random.key(seed)
    k1, k2 = jax.random.split(key)
    z = jax.random.normal(k1, (8, 32, 32, 32), dtype=jnp.float32)
    emb_weight = jax.random.uniform(k2, (K, D), minval=-1.0 / K, maxval=1.0 / K, dtype=jnp.float32)
    return {"z": z, "emb_weight": emb_weight}

def reference(z, emb_weight):
    # z: [B, C, H, W] with C == codebook_dim
    zp = jnp.transpose(z, (0, 2, 3, 1))  # [B, H, W, C]
    zf = zp.reshape(-1, D)  # [N, D]
    w = jax.lax.stop_gradient(emb_weight)  # torch uses .data for distance
    d = (jnp.sum(zf ** 2, axis=1, keepdims=True)
         + jnp.sum(w ** 2, axis=1)
         - 2.0 * jnp.matmul(zf, w.T))  # [N, K]
    token = jnp.argmin(d, axis=1)  # [N]
    z_q = jnp.take(emb_weight, token, axis=0).reshape(zp.shape)  # embedding lookup
    loss = (BETA * jnp.mean((jax.lax.stop_gradient(z_q) - zp) ** 2)
            + ALPHA * jnp.mean((z_q - jax.lax.stop_gradient(zp)) ** 2))
    z_q_st = zp + jax.lax.stop_gradient(z_q - zp)  # straight-through
    quant_error = jnp.mean(jnp.sum((jax.lax.stop_gradient(z_q) - jax.lax.stop_gradient(zp)) ** 2, axis=3))
    hist = jnp.bincount(token, length=K).astype(jnp.float32)
    codebook_usage_counts = jnp.sum((hist > 0).astype(jnp.float32))
    codebook_utilization = codebook_usage_counts / K
    avg_probs = hist / jnp.sum(hist, axis=0)
    codebook_perplexity = jnp.exp(-jnp.sum(avg_probs * jnp.log(avg_probs + 1e-10)))
    out = jnp.transpose(z_q_st, (0, 3, 1, 2))  # back to [B, C, H, W]
    return (out, loss, quant_error, codebook_utilization, codebook_perplexity)

if __name__ == "__main__":
    import jax
    _d = setup_inputs()
    print(jax.jit(kernel)(*tuple(_d.values())))

</pallas_src>

<mosaic_0001>
#map = affine_map<(d0, d1) -> (0, 0)>
#map1 = affine_map<(d0, d1) -> (0)>
#map2 = affine_map<(d0, d1) -> (0, 0, 0)>
module attributes {stable_mosaic.version = 14 : i64} {
  func.func @_sc_body(%arg0: i32, %arg1: i32, %arg2: memref<8192x32xf32, #tpu.memory_space<hbm>>, %arg3: memref<8192xi32, #tpu.memory_space<hbm>>, %arg4: memref<8192x32xf32, #tpu.memory_space<hbm>>, %arg5: memref<2x8192x16xf32, #tpu.memory_space<hbm>>, %arg6: memref<256xi32, #tpu.memory_space<vmem>>, %arg7: memref<256x32xf32, #tpu.memory_space<vmem>>, %arg8: memref<256x16xf32, #tpu.memory_space<vmem>>, %arg9: memref<8192x16xf32, #tpu.memory_space<vmem_shared>>, %arg10: memref<!tpu.dma_semaphore, #tpu.memory_space<semaphore_mem>>) attributes {dimension_semantics = [#tpu.dimension_semantics<core_parallel>, #tpu.dimension_semantics<subcore_parallel>], iteration_bounds = array<i64: 2, 16>, scalar_prefetch = 0 : i64, scratch_operands = 5 : i64, tpu.core_type = #tpu.core_type<sc_vector_subcore>, window_params = [{transform_indices = #map}, {transform_indices = #map1}, {transform_indices = #map}, {transform_indices = #map2}]} {
    %mul3A = arith.constant 2 : i32
    %mul3A_0 = arith.muli %arg1, %mul3A : i32
    %add3A = arith.addi %mul3A_0, %arg0 : i32
    %mul3A_1 = arith.constant 256 : i32
    %mul3A_2 = arith.muli %add3A, %mul3A_1 : i32
    "tpu.region"() ({
      %run_scoped3A = tpu.sem_alloc : memref<!tpu.dma_semaphore, #tpu.memory_space<semaphore_mem>>
      %dma_start3A_27 = tpu.memref_slice %arg3[%mul3A_2] : memref<8192xi32, #tpu.memory_space<hbm>> -> memref<256xi32, #tpu.memory_space<hbm>>
      %dma_start3A_28 = tpu.memref_slice %arg3[%mul3A_2] : memref<8192xi32, #tpu.memory_space<hbm>> -> memref<256xi32, #tpu.memory_space<hbm>>
      tpu.enqueue_dma source(%dma_start3A_28 : memref<256xi32, #tpu.memory_space<hbm>>) target(%arg6 : memref<256xi32, #tpu.memory_space<vmem>>) target_semaphore(%run_scoped3A : memref<!tpu.dma_semaphore, #tpu.memory_space<semaphore_mem>>)
      %dma_wait3A_29 = tpu.memref_slice %arg3[%mul3A_2] : memref<8192xi32, #tpu.memory_space<hbm>> -> memref<256xi32, #tpu.memory_space<hbm>>
      %dma_wait3A_30 = tpu.memref_slice %arg3[%mul3A_2] : memref<8192xi32, #tpu.memory_space<hbm>> -> memref<256xi32, #tpu.memory_space<hbm>>
      tpu.wait_dma2 semaphore(%run_scoped3A : memref<!tpu.dma_semaphore, #tpu.memory_space<semaphore_mem>>) src(%dma_wait3A_30 : memref<256xi32, #tpu.memory_space<hbm>>) dst(%arg6 : memref<256xi32, #tpu.memory_space<vmem>>)
      tpu.yield
    }) : () -> ()
    %dma_start3A = arith.constant 0 : i32
    %dma_start3A_3 = arith.constant 0 : i32
    %dma_start3A_4 = tpu.memref_slice %arg2[%dma_start3A, %dma_start3A_3] : memref<8192x32xf32, #tpu.memory_space<hbm>> -> memref<8192x32xf32, #tpu.memory_space<hbm>>
    tpu.enqueue_indirect_dma source(%dma_start3A_4 : memref<8192x32xf32, #tpu.memory_space<hbm>>) target(%arg7 : memref<256x32xf32, #tpu.memory_space<vmem>>) offsets(%arg6 : memref<256xi32, #tpu.memory_space<vmem>>) semaphore(%arg10 : memref<!tpu.dma_semaphore, #tpu.memory_space<semaphore_mem>>)
    %dma_wait3A = arith.constant 0 : i32
    %dma_wait3A_5 = arith.constant 0 : i32
    %dma_wait3A_6 = tpu.memref_slice %arg2[%dma_wait3A, %dma_wait3A_5] : memref<8192x32xf32, #tpu.memory_space<hbm>> -> memref<8192x32xf32, #tpu.memory_space<hbm>>
    tpu.wait_indirect_dma semaphore(%arg10 : memref<!tpu.dma_semaphore, #tpu.memory_space<semaphore_mem>>) src(%dma_wait3A_6 : memref<8192x32xf32, #tpu.memory_space<hbm>>) dst(%arg7 : memref<256x32xf32, #tpu.memory_space<vmem>>)
    "tpu.region"() ({
      %run_scoped3A = tpu.sem_alloc : memref<!tpu.dma_semaphore, #tpu.memory_space<semaphore_mem>>
      %dma_start3A_27 = arith.constant 0 : i32
      %dma_start3A_28 = tpu.memref_slice %arg4[%mul3A_2, %dma_start3A_27] : memref<8192x32xf32, #tpu.memory_space<hbm>> -> memref<256x32xf32, #tpu.memory_space<hbm>>
      %dma_start3A_29 = arith.constant 0 : i32
      %dma_start3A_30 = tpu.memref_slice %arg4[%mul3A_2, %dma_start3A_29] : memref<8192x32xf32, #tpu.memory_space<hbm>> -> memref<256x32xf32, #tpu.memory_space<hbm>>
      tpu.enqueue_dma source(%arg7 : memref<256x32xf32, #tpu.memory_space<vmem>>) target(%dma_start3A_30 : memref<256x32xf32, #tpu.memory_space<hbm>>) target_semaphore(%run_scoped3A : memref<!tpu.dma_semaphore, #tpu.memory_space<semaphore_mem>>)
      %dma_wait3A_31 = arith.constant 0 : i32
      %dma_wait3A_32 = tpu.memref_slice %arg4[%mul3A_2, %dma_wait3A_31] : memref<8192x32xf32, #tpu.memory_space<hbm>> -> memref<256x32xf32, #tpu.memory_space<hbm>>
      %dma_wait3A_33 = arith.constant 0 : i32
      %dma_wait3A_34 = tpu.memref_slice %arg4[%mul3A_2, %dma_wait3A_33] : memref<8192x32xf32, #tpu.memory_space<hbm>> -> memref<256x32xf32, #tpu.memory_space<hbm>>
      tpu.wait_dma2 semaphore(%run_scoped3A : memref<!tpu.dma_semaphore, #tpu.memory_space<semaphore_mem>>) src(%arg7 : memref<256x32xf32, #tpu.memory_space<vmem>>) dst(%dma_wait3A_34 : memref<256x32xf32, #tpu.memory_space<hbm>>)
      tpu.yield
    }) : () -> ()
    %mul3A_7 = arith.constant 512 : i32
    %mul3A_8 = arith.muli %arg1, %mul3A_7 : i32
    %scan3A = arith.constant 0 : i32
    %scan3A_9 = arith.constant 0 : i32
    %scan3A_10 = arith.constant 256 : i32
    %scan3A_11 = arith.addi %scan3A_9, %scan3A_10 : i32
    %scan3A_12 = arith.constant 1 : i32
    scf.for %scan3A_27 = %scan3A_9 to %scan3A_11 step %scan3A_12  : i32 {
      %broadcast_in_dim3A = arith.constant 0.000000e+00 : f32
      %broadcast_in_dim3A_28 = vector.broadcast %broadcast_in_dim3A : f32 to vector<16xf32>
      %swap3A = arith.index_cast %scan3A_27 : i32 to index
      %swap3A_29 = arith.constant 0 : index
      %swap3A_30 = tpu.vector_load %arg8[%swap3A, %swap3A_29] {strides = array<i32>} : memref<256x16xf32, #tpu.memory_space<vmem>>, vector<1x16xf32>,
      %swap3A_31 = vector.shape_cast %swap3A_30 : vector<1x16xf32> to vector<16xf32>
      %swap3A_32 = vector.shape_cast %broadcast_in_dim3A_28 : vector<16xf32> to vector<1x16xf32>
      tpu.vector_store %arg8[%swap3A, %swap3A_29], %swap3A_32 {strides = array<i32>} : memref<256x16xf32, #tpu.memory_space<vmem>>, vector<1x16xf32>,
    }
    %scan3A_13 = arith.constant 256 : i32
    "tpu.region"() ({
      %run_scoped3A = tpu.sem_alloc : memref<!tpu.dma_semaphore, #tpu.memory_space<semaphore_mem>>
      %dma_start3A_27 = arith.constant 0 : i32
      %dma_start3A_28 = tpu.memref_slice %arg9[%mul3A_8, %dma_start3A_27] : memref<8192x16xf32, #tpu.memory_space<vmem_shared>> -> memref<256x16xf32, #tpu.memory_space<vmem_shared>>
      %dma_start3A_29 = arith.constant 0 : i32
      %dma_start3A_30 = tpu.memref_slice %arg9[%mul3A_8, %dma_start3A_29] : memref<8192x16xf32, #tpu.memory_space<vmem_shared>> -> memref<256x16xf32, #tpu.memory_space<vmem_shared>>
      tpu.enqueue_dma source(%arg8 : memref<256x16xf32, #tpu.memory_space<vmem>>) target(%dma_start3A_30 : memref<256x16xf32, #tpu.memory_space<vmem_shared>>) target_semaphore(%run_scoped3A : memref<!tpu.dma_semaphore, #tpu.memory_space<semaphore_mem>>)
      %dma_wait3A_31 = arith.constant 0 : i32
      %dma_wait3A_32 = tpu.memref_slice %arg9[%mul3A_8, %dma_wait3A_31] : memref<8192x16xf32, #tpu.memory_space<vmem_shared>> -> memref<256x16xf32, #tpu.memory_space<vmem_shared>>
      %dma_wait3A_33 = arith.constant 0 : i32
      %dma_wait3A_34 = tpu.memref_slice %arg9[%mul3A_8, %dma_wait3A_33] : memref<8192x16xf32, #tpu.memory_space<vmem_shared>> -> memref<256x16xf32, #tpu.memory_space<vmem_shared>>
      tpu.wait_dma2 semaphore(%run_scoped3A : memref<!tpu.dma_semaphore, #tpu.memory_space<semaphore_mem>>) src(%arg8 : memref<256x16xf32, #tpu.memory_space<vmem>>) dst(%dma_wait3A_34 : memref<256x16xf32, #tpu.memory_space<vmem_shared>>)
      tpu.yield
    }) : () -> ()
    %add3A_14 = arith.constant 256 : i32
    %add3A_15 = arith.addi %mul3A_8, %add3A_14 : i32
    "tpu.region"() ({
      %run_scoped3A = tpu.sem_alloc : memref<!tpu.dma_semaphore, #tpu.memory_space<semaphore_mem>>
      %dma_start3A_27 = arith.constant 0 : i32
      %dma_start3A_28 = tpu.memref_slice %arg9[%add3A_15, %dma_start3A_27] : memref<8192x16xf32, #tpu.memory_space<vmem_shared>> -> memref<256x16xf32, #tpu.memory_space<vmem_shared>>
      %dma_start3A_29 = arith.constant 0 : i32
      %dma_start3A_30 = tpu.memref_slice %arg9[%add3A_15, %dma_start3A_29] : memref<8192x16xf32, #tpu.memory_space<vmem_shared>> -> memref<256x16xf32, #tpu.memory_space<vmem_shared>>
      tpu.enqueue_dma source(%arg8 : memref<256x16xf32, #tpu.memory_space<vmem>>) target(%dma_start3A_30 : memref<256x16xf32, #tpu.memory_space<vmem_shared>>) target_semaphore(%run_scoped3A : memref<!tpu.dma_semaphore, #tpu.memory_space<semaphore_mem>>)
      %dma_wait3A_31 = arith.constant 0 : i32
      %dma_wait3A_32 = tpu.memref_slice %arg9[%add3A_15, %dma_wait3A_31] : memref<8192x16xf32, #tpu.memory_space<vmem_shared>> -> memref<256x16xf32, #tpu.memory_space<vmem_shared>>
      %dma_wait3A_33 = arith.constant 0 : i32
      %dma_wait3A_34 = tpu.memref_slice %arg9[%add3A_15, %dma_wait3A_33] : memref<8192x16xf32, #tpu.memory_space<vmem_shared>> -> memref<256x16xf32, #tpu.memory_space<vmem_shared>>
      tpu.wait_dma2 semaphore(%run_scoped3A : memref<!tpu.dma_semaphore, #tpu.memory_space<semaphore_mem>>) src(%arg8 : memref<256x16xf32, #tpu.memory_space<vmem>>) dst(%dma_wait3A_34 : memref<256x16xf32, #tpu.memory_space<vmem_shared>>)
      tpu.yield
    }) : () -> ()
    %barrier3A = arith.constant 0 : index
    tpu.barrier barrier_id(%barrier3A)
    %scan3A_16 = arith.constant 0 : i32
    %scan3A_17 = arith.constant 0 : i32
    %scan3A_18 = arith.constant 256 : i32
    %scan3A_19 = arith.addi %scan3A_17, %scan3A_18 : i32
    %scan3A_20 = arith.constant 1 : i32
    scf.for %scan3A_27 = %scan3A_17 to %scan3A_19 step %scan3A_20  : i32 {
      %broadcast_in_dim3A = arith.constant 1.000000e+00 : f32
      %broadcast_in_dim3A_28 = vector.broadcast %broadcast_in_dim3A : f32 to vector<16xf32>
      %swap3A = arith.index_cast %scan3A_27 : i32 to index
      %swap3A_29 = arith.constant 0 : index
      %swap3A_30 = tpu.vector_load %arg8[%swap3A, %swap3A_29] {strides = array<i32>} : memref<256x16xf32, #tpu.memory_space<vmem>>, vector<1x16xf32>,
      %swap3A_31 = vector.shape_cast %swap3A_30 : vector<1x16xf32> to vector<16xf32>
      %swap3A_32 = vector.shape_cast %broadcast_in_dim3A_28 : vector<16xf32> to vector<1x16xf32>
      tpu.vector_store %arg8[%swap3A, %swap3A_29], %swap3A_32 {strides = array<i32>} : memref<256x16xf32, #tpu.memory_space<vmem>>, vector<1x16xf32>,
    }
    %scan3A_21 = arith.constant 256 : i32
    "tpu.region"() ({
      %run_scoped3A = tpu.sem_alloc : memref<!tpu.dma_semaphore, #tpu.memory_space<semaphore_mem>>
      %dma_start3A_27 = arith.constant 0 : i32
      %dma_start3A_28 = arith.constant 0 : i32
      %dma_start3A_29 = tpu.memref_slice %arg9[%dma_start3A_27, %dma_start3A_28] : memref<8192x16xf32, #tpu.memory_space<vmem_shared>> -> memref<8192x16xf32, #tpu.memory_space<vmem_shared>>
      tpu.enqueue_indirect_dma source(%arg8 : memref<256x16xf32, #tpu.memory_space<vmem>>) target(%dma_start3A_29 : memref<8192x16xf32, #tpu.memory_space<vmem_shared>>) offsets(%arg6 : memref<256xi32, #tpu.memory_space<vmem>>) semaphore(%run_scoped3A : memref<!tpu.dma_semaphore, #tpu.memory_space<semaphore_mem>>) {add = true}
      %dma_wait3A_30 = arith.constant 0 : i32
      %dma_wait3A_31 = arith.constant 0 : i32
      %dma_wait3A_32 = tpu.memref_slice %arg9[%dma_wait3A_30, %dma_wait3A_31] : memref<8192x16xf32, #tpu.memory_space<vmem_shared>> -> memref<8192x16xf32, #tpu.memory_space<vmem_shared>>
      tpu.wait_indirect_dma semaphore(%run_scoped3A : memref<!tpu.dma_semaphore, #tpu.memory_space<semaphore_mem>>) src(%arg8 : memref<256x16xf32, #tpu.memory_space<vmem>>) dst(%dma_wait3A_32 : memref<8192x16xf32, #tpu.memory_space<vmem_shared>>)
      tpu.yield
    }) : () -> ()
    %barrier3A_22 = arith.constant 0 : index
    tpu.barrier barrier_id(%barrier3A_22)
    "tpu.region"() ({
      %run_scoped3A = tpu.sem_alloc : memref<!tpu.dma_semaphore, #tpu.memory_space<semaphore_mem>>
      %dma_start3A_27 = arith.constant 0 : i32
      %dma_start3A_28 = tpu.memref_slice %arg5[%arg0, %mul3A_8, %dma_start3A_27] : memref<2x8192x16xf32, #tpu.memory_space<hbm>> -> memref<1x256x16xf32, #tpu.memory_space<hbm>>
      %dma_start3A_29 = tpu.memref_squeeze %dma_start3A_28 : memref<1x256x16xf32, #tpu.memory_space<hbm>> -> memref<256x16xf32, #tpu.memory_space<hbm>>
      %dma_start3A_30 = arith.constant 0 : i32
      %dma_start3A_31 = tpu.memref_slice %arg9[%mul3A_8, %dma_start3A_30] : memref<8192x16xf32, #tpu.memory_space<vmem_shared>> -> memref<256x16xf32, #tpu.memory_space<vmem_shared>>
      tpu.enqueue_dma source(%dma_start3A_31 : memref<256x16xf32, #tpu.memory_space<vmem_shared>>) target(%dma_start3A_29 : memref<256x16xf32, #tpu.memory_space<hbm>>) target_semaphore(%run_scoped3A : memref<!tpu.dma_semaphore, #tpu.memory_space<semaphore_mem>>)
      %dma_wait3A_32 = arith.constant 0 : i32
      %dma_wait3A_33 = tpu.memref_slice %arg5[%arg0, %mul3A_8, %dma_wait3A_32] : memref<2x8192x16xf32, #tpu.memory_space<hbm>> -> memref<1x256x16xf32, #tpu.memory_space<hbm>>
      %dma_wait3A_34 = tpu.memref_squeeze %dma_wait3A_33 : memref<1x256x16xf32, #tpu.memory_space<hbm>> -> memref<256x16xf32, #tpu.memory_space<hbm>>
      %dma_wait3A_35 = arith.constant 0 : i32
      %dma_wait3A_36 = tpu.memref_slice %arg9[%mul3A_8, %dma_wait3A_35] : memref<8192x16xf32, #tpu.memory_space<vmem_shared>> -> memref<256x16xf32, #tpu.memory_space<vmem_shared>>
      tpu.wait_dma2 semaphore(%run_scoped3A : memref<!tpu.dma_semaphore, #tpu.memory_space<semaphore_mem>>) src(%dma_wait3A_36 : memref<256x16xf32, #tpu.memory_space<vmem_shared>>) dst(%dma_wait3A_34 : memref<256x16xf32, #tpu.memory_space<hbm>>)
      tpu.yield
    }) : () -> ()
    %add3A_23 = arith.constant 256 : i32
    %add3A_24 = arith.addi %mul3A_8, %add3A_23 : i32
    %add3A_25 = arith.constant 256 : i32
    %add3A_26 = arith.addi %mul3A_8, %add3A_25 : i32
    "tpu.region"() ({
      %run_scoped3A = tpu.sem_alloc : memref<!tpu.dma_semaphore, #tpu.memory_space<semaphore_mem>>
      %dma_start3A_27 = arith.constant 0 : i32
      %dma_start3A_28 = tpu.memref_slice %arg5[%arg0, %add3A_26, %dma_start3A_27] : memref<2x8192x16xf32, #tpu.memory_space<hbm>> -> memref<1x256x16xf32, #tpu.memory_space<hbm>>
      %dma_start3A_29 = tpu.memref_squeeze %dma_start3A_28 : memref<1x256x16xf32, #tpu.memory_space<hbm>> -> memref<256x16xf32, #tpu.memory_space<hbm>>
      %dma_start3A_30 = arith.constant 0 : i32
      %dma_start3A_31 = tpu.memref_slice %arg9[%add3A_24, %dma_start3A_30] : memref<8192x16xf32, #tpu.memory_space<vmem_shared>> -> memref<256x16xf32, #tpu.memory_space<vmem_shared>>
      tpu.enqueue_dma source(%dma_start3A_31 : memref<256x16xf32, #tpu.memory_space<vmem_shared>>) target(%dma_start3A_29 : memref<256x16xf32, #tpu.memory_space<hbm>>) target_semaphore(%run_scoped3A : memref<!tpu.dma_semaphore, #tpu.memory_space<semaphore_mem>>)
      %dma_wait3A_32 = arith.constant 0 : i32
      %dma_wait3A_33 = tpu.memref_slice %arg5[%arg0, %add3A_26, %dma_wait3A_32] : memref<2x8192x16xf32, #tpu.memory_space<hbm>> -> memref<1x256x16xf32, #tpu.memory_space<hbm>>
      %dma_wait3A_34 = tpu.memref_squeeze %dma_wait3A_33 : memref<1x256x16xf32, #tpu.memory_space<hbm>> -> memref<256x16xf32, #tpu.memory_space<hbm>>
      %dma_wait3A_35 = arith.constant 0 : i32
      %dma_wait3A_36 = tpu.memref_slice %arg9[%add3A_24, %dma_wait3A_35] : memref<8192x16xf32, #tpu.memory_space<vmem_shared>> -> memref<256x16xf32, #tpu.memory_space<vmem_shared>>
      tpu.wait_dma2 semaphore(%run_scoped3A : memref<!tpu.dma_semaphore, #tpu.memory_space<semaphore_mem>>) src(%dma_wait3A_36 : memref<256x16xf32, #tpu.memory_space<vmem_shared>>) dst(%dma_wait3A_34 : memref<256x16xf32, #tpu.memory_space<hbm>>)
      tpu.yield
    }) : () -> ()
    return
  }
}

module attributes {stable_mosaic.version = 14 : i64} {
  func.func @_argmin_body(%arg0: i32, %arg1: memref<512x32xf32, #tpu.memory_space<vmem>>, %arg2: memref<512x1xf32, #tpu.memory_space<vmem>>, %arg3: memref<8192x32xf32, #tpu.memory_space<vmem>>, %arg4: memref<1x8192xf32, #tpu.memory_space<vmem>>, %arg5: memref<1x1x512xi32, #tpu.memory_space<vmem>>) attributes {dimension_semantics = [#tpu.dimension_semantics<arbitrary>], iteration_bounds = array<i64: 16>, scalar_prefetch = 0 : i64, scratch_operands = 0 : i64, tpu.core_type = #tpu.core_type<tc>, window_params = [{transform_indices = @transform_0, window_bounds = array<i64: 512, 32>}, {transform_indices = @transform_1, window_bounds = array<i64: 512, 1>}, {pipeline_mode = #tpu.pipeline_mode<synchronous>, transform_indices = @transform_2, window_bounds = array<i64: 8192, 32>}, {pipeline_mode = #tpu.pipeline_mode<synchronous>, transform_indices = @transform_3, window_bounds = array<i64: 1, 8192>}, {transform_indices = @transform_4, window_bounds = array<i64: 1, 1, 512>}]} {
    %get3A = arith.constant 0 : index
    %get3A_0 = arith.constant 0 : index
    %get3A_1 = vector.load %arg1[%get3A, %get3A_0] : memref<512x32xf32, #tpu.memory_space<vmem>>, vector<512x32xf32>
    %get3A_2 = arith.constant 0 : index
    %get3A_3 = arith.constant 0 : index
    %get3A_4 = vector.load %arg3[%get3A_2, %get3A_3] : memref<8192x32xf32, #tpu.memory_space<vmem>>, vector<8192x32xf32>
    %get3A_5 = arith.constant 0 : index
    %get3A_6 = arith.constant 0 : index
    %get3A_7 = vector.load %arg2[%get3A_5, %get3A_6] : memref<512x1xf32, #tpu.memory_space<vmem>>, vector<512x1xf32>
    %get3A_8 = arith.constant 0 : index
    %get3A_9 = arith.constant 0 : index
    %get3A_10 = vector.load %arg4[%get3A_8, %get3A_9] : memref<1x8192xf32, #tpu.memory_space<vmem>>, vector<1x8192xf32>
    %dot_general3A = arith.constant dense<0.000000e+00> : vector<512x8192xf32>
    %dot_general3A_11 = tpu.matmul %get3A_1, %get3A_4, %dot_general3A {dimension_numbers = #tpu.dot_dimension_numbers<[1], [1], [0], [0], [0, 0, 1, 0], [], []>, transpose_lhs_hint = false} : vector<512x32xf32>, vector<8192x32xf32>, vector<512x8192xf32> -> vector<512x8192xf32>
    %add3A = vector.broadcast %get3A_7 : vector<512x1xf32> to vector<512x8192xf32>
    %add3A_12 = vector.broadcast %get3A_10 : vector<1x8192xf32> to vector<512x8192xf32>
    %add3A_13 = arith.addf %add3A, %add3A_12 : vector<512x8192xf32>
    %mul3A = arith.constant 2.000000e+00 : f32
    %mul3A_14 = vector.broadcast %mul3A : f32 to vector<512x8192xf32>
    %mul3A_15 = arith.mulf %mul3A_14, %dot_general3A_11 : vector<512x8192xf32>
    %sub3A = arith.subf %add3A_13, %mul3A_15 : vector<512x8192xf32>
    %reduce_min3A = arith.constant dense<0x7F800000> : vector<512xf32>
    %reduce_min3A_16 = vector.multi_reduction <minimumf>, %sub3A, %reduce_min3A [1] : vector<512x8192xf32> to vector<512xf32>
    %broadcast_in_dim3A = vector.shape_cast %reduce_min3A_16 : vector<512xf32> to vector<512x1xf32>
    %iota3A = tpu.iota {dimensions = array<i32: 1>} : vector<512x8192xi32>
    %eq3A = vector.broadcast %broadcast_in_dim3A : vector<512x1xf32> to vector<512x8192xf32>
    %eq3A_17 = arith.cmpf oeq, %sub3A, %eq3A : vector<512x8192xf32>
    %jit3A = arith.constant 8192 : i32
    %broadcast_in_dim3A_18 = vector.broadcast %jit3A : i32 to vector<512x8192xi32>
    %select_n3A = arith.select %eq3A_17, %iota3A, %broadcast_in_dim3A_18 : vector<512x8192xi1>, vector<512x8192xi32>
    %reduce_min3A_19 = arith.constant dense<2147483647> : vector<512xi32>
    %reduce_min3A_20 = vector.multi_reduction <minsi>, %select_n3A, %reduce_min3A_19 [1] : vector<512x8192xi32> to vector<512xi32>
    %swap3A = arith.constant 0 : index
    %swap3A_21 = arith.constant 0 : index
    %swap3A_22 = arith.constant 0 : index
    %swap3A_23 = vector.load %arg5[%swap3A, %swap3A_21, %swap3A_22] : memref<1x1x512xi32, #tpu.memory_space<vmem>>, vector<1x1x512xi32>
    %swap3A_24 = vector.shape_cast %swap3A_23 : vector<1x1x512xi32> to vector<512xi32>
    %swap3A_25 = vector.shape_cast %reduce_min3A_20 : vector<512xi32> to vector<1x1x512xi32>
    tpu.vector_store %arg5[%swap3A, %swap3A_21, %swap3A_22], %swap3A_25 {strides = array<i32>} : memref<1x1x512xi32, #tpu.memory_space<vmem>>, vector<1x1x512xi32>,
    return
  }
  func.func @transform_0(%arg0: i32) -> (i32, i32) {
    %c0_i32 = arith.constant 0 : i32
    %c0_i32_0 = arith.constant 0 : i32
    return %arg0, %c0_i32 : i32, i32
  }
  func.func @transform_1(%arg0: i32) -> (i32, i32) {
    %c0_i32 = arith.constant 0 : i32
    %c0_i32_0 = arith.constant 0 : i32
    return %arg0, %c0_i32 : i32, i32
  }
  func.func @transform_2(%arg0: i32) -> (i32, i32) {
    %c0_i32 = arith.constant 0 : i32
    %c0_i32_0 = arith.constant 0 : i32
    %c0_i32_1 = arith.constant 0 : i32
    return %c0_i32, %c0_i32_0 : i32, i32
  }
  func.func @transform_3(%arg0: i32) -> (i32, i32) {
    %c0_i32 = arith.constant 0 : i32
    %c0_i32_0 = arith.constant 0 : i32
    %c0_i32_1 = arith.constant 0 : i32
    return %c0_i32, %c0_i32_0 : i32, i32
  }
  func.func @transform_4(%arg0: i32) -> (i32, i32, i32) {
    %c0_i32 = arith.constant 0 : i32
    %c0_i32_0 = arith.constant 0 : i32
    %c0_i32_1 = arith.constant 0 : i32
    return %arg0, %c0_i32, %c0_i32_0 : i32, i32, i32
  }
}

module attributes {stable_mosaic.version = 14 : i64} {
  func.func @_stats_body(%arg0: memref<8192x32xf32, #tpu.memory_space<vmem>>, %arg1: memref<8192x32xf32, #tpu.memory_space<vmem>>, %arg2: memref<2x8192x16xf32, #tpu.memory_space<vmem>>, %arg3: memref<8192x32xf32, #tpu.memory_space<vmem>>, %arg4: memref<1x1xf32, #tpu.memory_space<vmem>>, %arg5: memref<1x1xf32, #tpu.memory_space<vmem>>, %arg6: memref<1x1xf32, #tpu.memory_space<vmem>>, %arg7: memref<1x1xf32, #tpu.memory_space<vmem>>) attributes {dimension_semantics = [], scalar_prefetch = 0 : i64, scratch_operands = 0 : i64, tpu.core_type = #tpu.core_type<tc>} {
    %get3A = arith.constant 0 : index
    %get3A_0 = arith.constant 0 : index
    %get3A_1 = vector.load %arg0[%get3A, %get3A_0] : memref<8192x32xf32, #tpu.memory_space<vmem>>, vector<8192x32xf32>
    %get3A_2 = arith.constant 0 : index
    %get3A_3 = arith.constant 0 : index
    %get3A_4 = vector.load %arg1[%get3A_2, %get3A_3] : memref<8192x32xf32, #tpu.memory_space<vmem>>, vector<8192x32xf32>
    %sub3A = arith.subf %get3A_4, %get3A_1 : vector<8192x32xf32>
    %integer_pow3A = arith.mulf %sub3A, %sub3A : vector<8192x32xf32>
    %reduce_sum3A = vector.shape_cast %integer_pow3A : vector<8192x32xf32> to vector<1x8192x32xf32>
    %reduce_sum3A_5 = arith.constant dense<0.000000e+00> : vector<1xf32>
    %reduce_sum3A_6 = vector.multi_reduction <add>, %reduce_sum3A, %reduce_sum3A_5 [1, 2] : vector<1x8192x32xf32> to vector<1xf32>
    %reduce_sum3A_7 = vector.shape_cast %reduce_sum3A_6 : vector<1xf32> to vector<1x1x1xf32>
    %reduce_sum3A_8 = vector.extract %reduce_sum3A_7[0, 0, 0] : f32 from vector<1x1x1xf32>
    %div3A = arith.constant 2.621440e+05 : f32
    %div3A_9 = arith.divf %reduce_sum3A_8, %div3A : f32
    %mul3A = arith.constant 2.500000e-01 : f32
    %mul3A_10 = arith.mulf %mul3A, %div3A_9 : f32
    %add3A = arith.addf %mul3A_10, %div3A_9 : f32
    %reshape3A = vector.broadcast %add3A : f32 to vector<1x1xf32>
    %swap3A = arith.constant 0 : index
    %swap3A_11 = arith.constant 0 : index
    %swap3A_12 = vector.load %arg4[%swap3A, %swap3A_11] : memref<1x1xf32, #tpu.memory_space<vmem>>, vector<1x1xf32>
    tpu.vector_store %arg4[%swap3A, %swap3A_11], %reshape3A {strides = array<i32>} : memref<1x1xf32, #tpu.memory_space<vmem>>, vector<1x1xf32>,
    %div3A_13 = arith.constant 8.192000e+03 : f32
    %div3A_14 = arith.divf %reduce_sum3A_8, %div3A_13 : f32
    %reshape3A_15 = vector.broadcast %div3A_14 : f32 to vector<1x1xf32>
    %swap3A_16 = arith.constant 0 : index
    %swap3A_17 = arith.constant 0 : index
    %swap3A_18 = vector.load %arg5[%swap3A_16, %swap3A_17] : memref<1x1xf32, #tpu.memory_space<vmem>>, vector<1x1xf32>
    tpu.vector_store %arg5[%swap3A_16, %swap3A_17], %reshape3A_15 {strides = array<i32>} : memref<1x1xf32, #tpu.memory_space<vmem>>, vector<1x1xf32>,
    %get3A_19 = arith.constant 0 : index
    %get3A_20 = arith.constant 0 : index
    %get3A_21 = arith.constant 0 : index
    %get3A_22 = vector.load %arg2[%get3A_19, %get3A_20, %get3A_21] : memref<2x8192x16xf32, #tpu.memory_space<vmem>>, vector<1x8192x1xf32>
    %get3A_23 = vector.shape_cast %get3A_22 : vector<1x8192x1xf32> to vector<8192x1xf32>
    %get3A_24 = arith.constant 1 : index
    %get3A_25 = arith.constant 0 : index
    %get3A_26 = arith.constant 0 : index
    %get3A_27 = vector.load %arg2[%get3A_24, %get3A_25, %get3A_26] : memref<2x8192x16xf32, #tpu.memory_space<vmem>>, vector<1x8192x1xf32>
    %get3A_28 = vector.shape_cast %get3A_27 : vector<1x8192x1xf32> to vector<8192x1xf32>
    %add3A_29 = arith.addf %get3A_23, %get3A_28 : vector<8192x1xf32>
    %gt3A = arith.constant 0.000000e+00 : f32
    %gt3A_30 = vector.broadcast %gt3A : f32 to vector<8192x1xf32>
    %gt3A_31 = arith.cmpf ogt, %add3A_29, %gt3A_30 : vector<8192x1xf32>
    %convert_element_type3A = arith.extui %gt3A_31 : vector<8192x1xi1> to vector<8192x1xi32>
    %convert_element_type3A_32 = arith.sitofp %convert_element_type3A : vector<8192x1xi32> to vector<8192x1xf32>
    %reduce_sum3A_33 = vector.shape_cast %convert_element_type3A_32 : vector<8192x1xf32> to vector<1x8192x1xf32>
    %reduce_sum3A_34 = arith.constant dense<0.000000e+00> : vector<1xf32>
    %reduce_sum3A_35 = vector.multi_reduction <add>, %reduce_sum3A_33, %reduce_sum3A_34 [1, 2] : vector<1x8192x1xf32> to vector<1xf32>
    %reduce_sum3A_36 = vector.shape_cast %reduce_sum3A_35 : vector<1xf32> to vector<1x1x1xf32>
    %reduce_sum3A_37 = vector.extract %reduce_sum3A_36[0, 0, 0] : f32 from vector<1x1x1xf32>
    %div3A_38 = arith.constant 8.192000e+03 : f32
    %div3A_39 = arith.divf %reduce_sum3A_37, %div3A_38 : f32
    %reshape3A_40 = vector.broadcast %div3A_39 : f32 to vector<1x1xf32>
    %swap3A_41 = arith.constant 0 : index
    %swap3A_42 = arith.constant 0 : index
    %swap3A_43 = vector.load %arg6[%swap3A_41, %swap3A_42] : memref<1x1xf32, #tpu.memory_space<vmem>>, vector<1x1xf32>
    tpu.vector_store %arg6[%swap3A_41, %swap3A_42], %reshape3A_40 {strides = array<i32>} : memref<1x1xf32, #tpu.memory_space<vmem>>, vector<1x1xf32>,
    %reduce_sum3A_44 = vector.shape_cast %add3A_29 : vector<8192x1xf32> to vector<1x8192x1xf32>
    %reduce_sum3A_45 = arith.constant dense<0.000000e+00> : vector<1xf32>
    %reduce_sum3A_46 = vector.multi_reduction <add>, %reduce_sum3A_44, %reduce_sum3A_45 [1, 2] : vector<1x8192x1xf32> to vector<1xf32>
    %reduce_sum3A_47 = vector.shape_cast %reduce_sum3A_46 : vector<1xf32> to vector<1x1x1xf32>
    %reduce_sum3A_48 = vector.extract %reduce_sum3A_47[0, 0, 0] : f32 from vector<1x1x1xf32>
    %div3A_49 = vector.broadcast %reduce_sum3A_48 : f32 to vector<8192x1xf32>
    %div3A_50 = arith.divf %add3A_29, %div3A_49 : vector<8192x1xf32>
    %add3A_51 = arith.constant 1.000000e-10 : f32
    %add3A_52 = vector.broadcast %add3A_51 : f32 to vector<8192x1xf32>
    %add3A_53 = arith.addf %div3A_50, %add3A_52 : vector<8192x1xf32>
    %log3A = math.log %add3A_53 : vector<8192x1xf32>
    %mul3A_54 = arith.mulf %div3A_50, %log3A : vector<8192x1xf32>
    %reduce_sum3A_55 = vector.shape_cast %mul3A_54 : vector<8192x1xf32> to vector<1x8192x1xf32>
    %reduce_sum3A_56 = arith.constant dense<0.000000e+00> : vector<1xf32>
    %reduce_sum3A_57 = vector.multi_reduction <add>, %reduce_sum3A_55, %reduce_sum3A_56 [1, 2] : vector<1x8192x1xf32> to vector<1xf32>
    %reduce_sum3A_58 = vector.shape_cast %reduce_sum3A_57 : vector<1xf32> to vector<1x1x1xf32>
    %reduce_sum3A_59 = vector.extract %reduce_sum3A_58[0, 0, 0] : f32 from vector<1x1x1xf32>
    %neg3A = arith.constant 0.000000e+00 : f32
    %neg3A_60 = arith.subf %neg3A, %reduce_sum3A_59 : f32
    %exp3A = math.exp %neg3A_60 : f32
    %reshape3A_61 = vector.broadcast %exp3A : f32 to vector<1x1xf32>
    %swap3A_62 = arith.constant 0 : index
    %swap3A_63 = arith.constant 0 : index
    %swap3A_64 = vector.load %arg7[%swap3A_62, %swap3A_63] : memref<1x1xf32, #tpu.memory_space<vmem>>, vector<1x1xf32>
    tpu.vector_store %arg7[%swap3A_62, %swap3A_63], %reshape3A_61 {strides = array<i32>} : memref<1x1xf32, #tpu.memory_space<vmem>>, vector<1x1xf32>,
    %sub3A_65 = arith.subf %get3A_4, %get3A_1 : vector<8192x32xf32>
    %add3A_66 = arith.addf %get3A_1, %sub3A_65 : vector<8192x32xf32>
    %swap3A_67 = arith.constant 0 : index
    %swap3A_68 = arith.constant 0 : index
    %swap3A_69 = vector.load %arg3[%swap3A_67, %swap3A_68] : memref<8192x32xf32, #tpu.memory_space<vmem>>, vector<8192x32xf32>
    tpu.vector_store %arg3[%swap3A_67, %swap3A_68], %add3A_66 {strides = array<i32>} : memref<8192x32xf32, #tpu.memory_space<vmem>>, vector<8192x32xf32>,
    return
  }
}

</mosaic_0001>

<sc_bundles>
// kernel: kernel.5.cloned.1.call-start
scs
__scs_entry_jumppad:
0x0: {  	(pc) =	sbr.rel $0x88, $3  }
0x1: {  	(tag) =	ssettag $0x0;
	lr =	simm.s32 $0x1  }
0x2: {  	[smem:$0x3F9F] =	sst lr;
	_ =	strace $0xD0000000  }
0x3: {  	_ = 	snop  }
0x4: {  	_ = 	snop  }
0x5: {  	_ = 	snop  }
0x6: {  	_ = 	snop  }
0x7: {  	_ = 	snop  }
__scs_overlays_trampoline_lowered:
0x8: {  	[smem:$0x3FAE] =	sst s0  }
0x9: {  	[smem:$0x3FAF] =	sst s1  }
0xa: {  	[smem:$0x3FB0] =	sst s2  }
0xb: {  	[smem:$0x3FB1] =	sst s3  }
0xc: {  	[smem:$0x3FB2] =	sst s4  }
0xd: {  	[smem:$0x3FB3] =	sst s5  }
0xe: {  	[smem:$0x3FB4] =	sst s6  }
0xf: {  	[smem:$0x3FB5] =	sst s7  }
0x10: {  	[smem:$0x3FB6] =	sst s8  }
0x11: {  	[smem:$0x3FB7] =	sst s9;
	s0 =	simm.s32 @!p0 $0x0  }
0x12: {  	s1 =	sld [smem:$0x3F9D];
	s0 =	simm.s32 @p0 $0x1  }
0x13: {  	[smem:$0x3FB8] =	sst s0;
	s0 =	simm.s32 @!p1 $0x0  }
0x14: {  	s2 =	sld [smem:$0x3F9C];
	s0 =	simm.s32 @p1 $0x1  }
0x15: {  	[smem:$0x3FB9] =	sst s0;
	s0 =	simm.s32 @!p2 $0x0  }
0x16: {  	s3 =	sld [smem:$0x3FDB];
	s0 =	simm.s32 @p2 $0x1  }
0x17: {  	s4 =	simm.s32 $0x1BF5;
	[smem:$0x3FBB] =	sst s0  }
0x18: {  	s0 =	sld [smem:$0x3F9E];
	_ =	swait.ge [sflag:s4], $0x0  }
0x19: {  	s7 =	sld [smem:$0x3F9F]  }
0x1a: {  	s8 =	sadd.s32 $0xFFFFE003, lr  }
0x1b: {  	s9 =	sadd.s32 $0xFFFFFEF7, lr;
	s5 =	simm.s32 $0xFFFFFFFF;
	p2 =	slt.u32 s8, $0xFFFFF086  }
0x1c: {  	p1 =	slt.u32 s9, $0xF7A;
	s5 =	simm.s32 @!p2 $0x0  }
0x1d: {  	s5 =	simm.s32 @p1 $0x1;
	p0 =	seq.s32 s7, s2  }
0x1e: {  	s7 =	smul.u32 @!p0 $0xF7A, s2;
	p2 =	seq.s32 @!p0 s5, $0x0  }
0x1f: {  	s9 =	smul.u32 $0xF7A, s1;
	s8 =	simm.s32 @!p0 $0x1BF5;
	p2 =	por !p2, p0  }
0x20: {  	[sflag:s8] =	ssyncset.s32 @!p0 $0xFFFFF086;
	s6 =	sadd.s32 @!p0 s3, s7;
	s7 =	simm.s32 @!p0 $0x108  }
0x21: {  	s3 =	sadd.s32 s3, s9;
	s6 =	sadd.s32 @!p0 $0x88, s6;
	s7 =	simm.s32 @p2 $0x1082  }
0x22: {  	[simem:s7], [sflag:s8] =	dma.local @!p0 [hbm:s6], $0xF7A  }
0x23: {  	s9 =	sor.u32 $0xD0000000, s2;
	s6 =	simm.s32 $0x108;
	_ =	swait.ge @!p0 [sflag:s8], $0x0  }
0x24: {  	s3 =	sadd.s32 $0x88, s3;
	s6 =	simm.s32 @!p1 $0x1082;
	[sflag:s4] =	ssyncset.s32 $0xFFFFF086  }
0x25: {  	[simem:s6], [sflag:s4] =	dma.local [hbm:s3], $0xF7A  }
0x26: {  	[smem:$0x3F9F] =	sst s1;
	(tag) =	ssettag s2;
	_ =	strace s9  }
0x27: {  	s1 =	sld [smem:$0x3FAF]  }
0x28: {  	s2 =	sld [smem:$0x3FB0]  }
0x29: {  	s4 =	sld [smem:$0x3FB2]  }
0x2a: {  	p0 =	seq.s32 s5, $0x0;
	s5 =	sld [smem:$0x3FB3]  }
0x2b: {  	s6 =	sld [smem:$0x3FB4]  }
0x2c: {  	s7 =	sld [smem:$0x3FB5]  }
0x2d: {  	s3 =	simm.s32 $0x108;
	s8 =	sld [smem:$0x3FB6]  }
0x2e: {  	s3 =	simm.s32 @!p0 $0x1082;
	s9 =	sld [smem:$0x3FB7]  }
0x2f: {  	lr =	sadd.s32 s0, s3;
	s0 =	sld [smem:$0x3FAE]  }
0x30: {  	s3 =	sld [smem:$0x3FB1]  }
0x31: {  	[smem:$0x3FBA] =	sst s10  }
0x32: {  	s10 =	sld [smem:$0x3FB8];
	_ =	sdelay $0x3  }
0x33: {  	p0 =	seq.s32 s10, $0x1;
	s10 =	sld [smem:$0x3FBA];
	_ =	sdelay $0x3  }
0x34: {  	[smem:$0x3FBA] =	sst s10  }
0x35: {  	s10 =	sld [smem:$0x3FB9];
	_ =	sdelay $0x3  }
0x36: {  	p1 =	seq.s32 s10, $0x1;
	s10 =	sld [smem:$0x3FBA];
	_ =	sdelay $0x3  }
0x37: {  	[smem:$0x3FBA] =	sst s10  }
0x38: {  	s10 =	sld [smem:$0x3FBB]  }
0x39: {  	_ = 	snop;
	(pc) =	sbr.ind lr, $3  }
0x3a: {  	_ = 	snop  }
0x3b: {  	_ = 	snop  }
0x3c: {  	p2 =	seq.s32 s10, $0x1;
	s10 =	sld [smem:$0x3FBA]  }
0x3d: {  	_ =	shalt  }
0x3e: {  	_ =	shalt  }
0x3f: {  	_ =	shalt  }
0x40: {  	_ =	shalt  }
0x41: {  	_ =	shalt  }
0x42: {  	_ =	shalt  }
0x43: {  	_ =	shalt  }
0x44: {  	_ =	shalt  }
0x45: {  	_ =	shalt  }
0x46: {  	_ =	shalt  }
0x47: {  	_ =	shalt  }
0x48: {  	_ =	shalt  }
0x49: {  	_ =	shalt  }
0x4a: {  	_ =	shalt  }
0x4b: {  	_ =	shalt  }
0x4c: {  	_ =	shalt  }
0x4d: {  	_ =	shalt  }
0x4e: {  	_ =	shalt  }
0x4f: {  	_ =	shalt  }
0x50: {  	_ =	shalt  }
0x51: {  	_ =	shalt  }
0x52: {  	_ =	shalt  }
0x53: {  	_ =	shalt  }
0x54: {  	_ =	shalt  }
0x55: {  	_ =	shalt  }
0x56: {  	_ =	shalt  }
0x57: {  	_ =	shalt  }
0x58: {  	_ =	shalt  }
0x59: {  	_ =	shalt  }
0x5a: {  	_ =	shalt  }
0x5b: {  	_ =	shalt  }
0x5c: {  	_ =	shalt  }
0x5d: {  	_ =	shalt  }
0x5e: {  	_ =	shalt  }
0x5f: {  	_ =	shalt  }
0x60: {  	_ =	shalt  }
0x61: {  	_ =	shalt  }
0x62: {  	_ =	shalt  }
0x63: {  	_ =	shalt  }
0x64: {  	_ =	shalt  }
0x65: {  	_ =	shalt  }
0x66: {  	_ =	shalt  }
0x67: {  	_ =	shalt  }
0x68: {  	_ =	shalt  }
0x69: {  	_ =	shalt  }
0x6a: {  	_ =	shalt  }
0x6b: {  	_ =	shalt  }
0x6c: {  	_ =	shalt  }
0x6d: {  	_ =	shalt  }
0x6e: {  	_ =	shalt  }
0x6f: {  	_ =	shalt  }
0x70: {  	_ =	shalt  }
0x71: {  	_ =	shalt  }
0x72: {  	_ =	shalt  }
0x73: {  	_ =	shalt  }
0x74: {  	_ =	shalt  }
0x75: {  	_ =	shalt  }
0x76: {  	_ =	shalt  }
0x77: {  	_ =	shalt  }
0x78: {  	_ =	shalt  }
0x79: {  	_ =	shalt  }
0x7a: {  	_ =	shalt  }
0x7b: {  	_ =	shalt  }
0x7c: {  	_ =	shalt  }
0x7d: {  	_ =	shalt  }
0x7e: {  	_ =	shalt  }
0x7f: {  	_ =	shalt  }
0x80: {  	_ =	shalt  }
0x81: {  	_ =	shalt  }
0x82: {  	_ =	shalt  }
0x83: {  	_ =	shalt  }
0x84: {  	_ =	shalt  }
0x85: {  	_ =	shalt  }
0x86: {  	_ =	shalt  }
0x87: {  	_ =	shalt  }
.Lfunc_end0:
.L_simem_size_0:
called_computation_lowered:
.L_overlay_start_0:
0x88: {  	s2 =	sld [smem:$0x3FD9]  }
0x89: {  	s3 =	sld [smem:$0x3FFE];
	_ =	sdelay $0x1  }
0x8a: {  	s1 =	srdreg.scid  }
0x8b: {  	s0 =	sand.u32 $0x1, s1  }
0x8c: {  	s14 =	sshll.u32 s0, $0xA;
	s2 =	sadd.s32 s3, s2  }
0x8d: {  	s2 =	sadd.s32 s2, s14  }
0x8e: {  	[smem:$0x3FC6] =	sst s2  }
0x8f: {  	_ = 	snop  }
0x90: {  	s2 =	sld [smem:$0x3FD0];
	_ =	sdelay $0x2  }
0x91: {  	s15 =	simm.s32 $0xA;
	s4 =	simm.s32 $0x10  }
0x92: {  	[smem:s4], [sflag:s15] =	dma.local [hbm:s2], $0x1  }
0x93: {  	_ =	swait.eq [sflag:s15], $0x1  }
0x94: {  	[sflag:s15] =	ssyncset.done $0x0  }
0x95: {  	[sflag:s15] =	ssyncadd.s32 $0xFFFFFFFF  }
0x96: {  	s16 =	sld [smem:$0x10];
	(tm) =	ssettm $0x1  }
0x97: {  	s17 =	sld [smem:$0x3FFB];
	_ =	sdelay $0x3  }
0x98: {  	_ =	strace s17  }
0x99: {  	s3 =	sld [smem:$0x3FFC];
	_ =	sdelay $0x3  }
0x9a: {  	_ =	strace s3  }
0x9b: {  	s3 =	sld [smem:$0x3FFD];
	_ =	sdelay $0x3  }
0x9c: {  	_ =	strace s3  }
0x9d: {  	_ =	strace $0x8FFFFFFF  }
0x9e: {  	s18 =	sld [smem:$0x3FDB];
	_ =	sdelay $0x1  }
0x9f: {  	s19 =	simm.s32 $_scs_section_size  }
0xa0: {  	s5 =	simm.s32 $_size__tile_overlayer_lowered;
	s6 =	simm.s32 $_tile_overlayer_lowered  }
0xa1: {  	s22 =	simm.s32 $0x1BFF;
	s21 =	sshll.u32 s6, $0x1;
	s3 =	sadd.s32 s19, s18  }
0xa2: {  	s7 =	simm.s32 $0x0;
	s20 =	sshll.u32 s5, $0x1;
	s5 =	sadd.s32 s21, s3  }
0xa3: {  	[timem:s7], [sflag:s22] =	dma.local [hbm:s5], s20  }
0xa4: {  	_ =	swait.ge [sflag:s22], s20  }
0xa5: {  	s4 =	ssub.s32 $0x0, s20;
	[sflag:s22] =	ssyncset.done $0x0  }
0xa6: {  	[sflag:s22] =	ssyncadd.s32 s4;
	_ =	sdelay $0x1  }
0xa7: {  	s23 =	simm.s32 $0x1B8B  }
0xa8: {  	_ =	swait.ge [sflag:s23], $0x1  }
0xa9: {  	[sflag:s23] =	ssyncset.done $0x0  }
0xaa: {  	s25 =	simm.s32 $0x1B8E;
	s24 =	sld [smem:$0x3FFE];
	[sflag:s23] =	ssyncadd.s32 $0xFFFFFFFF  }
0xab: {  	s26 =	simm.s32 $execute0_lowered;
	[smem:$0x3FD2] =	sst s25  }
0xac: {  	s5 =	sshll.u32 s26, $0x1;
	_ =	strace $0x80000046;
	[dreg:$0x1] =	wrdreg $0xFFFFFFFF  }
0xad: {  	s28 =	simm.s32 $_size_execute0_lowered;
	s3 =	sadd.s32 s3, s5;
	[dreg:$0x0] =	wrdreg $0x0  }
0xae: {  	s5 =	sshll.u32 s28, $0x1;
	[dreg:$0x2] =	wrdreg s3  }
0xaf: {  	[dreg:$0x3] =	wrdreg s5  }
0xb0: {  	[dreg:$0x4] =	wrdreg $0xC0  }
0xb1: {  	_ =	task [dreg:s7], $0x5FFFF  }
0xb2: {  	[dreg:$0x1] =	wrdreg $0xFFFFFFFF  }
0xb3: {  	[dreg:$0x0] =	wrdreg $0x60  }
0xb4: {  	[dreg:$0x2] =	wrdreg s16  }
0xb5: {  	[dreg:$0x3] =	wrdreg s24  }
0xb6: {  	[dreg:$0x4] =	wrdreg $0x31000  }
0xb7: {  	[dreg:$0x5] =	wrdreg $0x9  }
0xb8: {  	_ =	task.clear_ibuf [dreg:s7], $0x6FFFF;
	_ =	strace $0x90000046  }
0xb9: {  	s29 =	simm.s32 $0x9;
	_ =	strace $0x80000048  }
0xba: {  	_ =	swait.ge [sflag:s29], $0x1  }
0xbb: {  	[sflag:s29] =	ssyncadd.s32 $0xFFFFFFFF  }
0xbc: {  	_ =	strace $0x90000048  }
0xbd: {  	_ =	sfence  }
0xbe: {  	s30 =	sld [smem:$0x0];
	_ =	sdelay $0x2  }
0xbf: {  	s31 =	sshll.u32 s1, $0xD;
	s1 =	sshrl.u32 s1, $0x2  }
0xc0: {  	s3 =	sand.u32 $0x4000, s31;
	s1 =	sadd.s32 s1, s30  }
0xc1: {  	s0 =	sor.u32 s3, s0;
	s1 =	sshll.u32 s1, $0x11  }
0xc2: {  	s0 =	sor.u32 s1, s0  }
0xc3: {  	s0 =	sadd.s32 $0x8F2B, s0  }
0xc4: {  	[sflag:s0] =	ssyncadd.remote.s32 $0x1  }
0xc5: {  	_ =	sfence.sel $0xFFFF  }
0xc6: {  	[dreg:$0x0] =	wrdreg $0xFFFFFFFF;
	(pc) =	sbr.abs _section_cstart, $3  }
0xc7: {  	[dreg:$0x1] =	wrdreg $0xFFFFFFFF  }
0xc8: {  	_ =	task.clear_ibuf [dreg:s7], $0x2FFFF;
	_ =	strace $0x9FFFFFFF  }
0xc9: {  	(tm) =	ssettm $0x7FFFFFFF  }
tec
execute0_lowered:
.L_overlay_start_1:
0x0: {  	(tag) =	ssettag $0x1  }
0x1: {  	s1 =	rddreg [dreg:$0x0]  }
0x2: {  	s5 =	rddreg [dreg:$0x1]  }
0x3: {  	s3 =	rddreg [dreg:$0x2]  }
0x4: {  	s4 =	srdreg.scid;
	s0 =	rddreg [dreg:$0x3]  }
0x5: {  	s2 =	stileid.u32;
	s14 =	simm.s32 $0x1;
	s15 =	simm.s32 $0x2100  }
0x6: {  	s19 =	simm.s32 $0x0;
	s7 =	sand.u32 $0x1, s4;
	s4 =	simm.s32 $0x0  }
0x7: {  	s6 =	sshll.u32 s2, $0x9;
	s10 =	sadd.s32 $0x8A00, s5;
	s29 =	sshll.u32 s2, $0xD  }
0x8: {  	s16 =	sshll.u32 s2, $0x6;
	s8 =	sshll.u32 s7, $0x8;
	[smem:$0x7FF] =	sst s4  }
0x9: {  	s9 =	ssub.s32 $0x2, s7;
	s30 =	sor.u32 $0x1000, s29;
	s12 =	sshll.u32 s7, $0x11  }
0xa: {  	s7 =	sadd.s32 s29, s3;
	s16 =	sor.u32 $0x1C02, s16;
	s6 =	sor.u32 s8, s6  }
0xb: {  	_ =	strace $0x80000047;
	s28 =	sshrl.u32 s9, $0x1;
	s13 =	sor.u32 s29, s12  }
0xc: {  	s12 =	sor.u32 s12, s30;
	s17 =	sshrl.u32 s7, $0x3;
	s8 =	sshrl.u32 s6, $0x3  }
0xd: {  	s6 =	sshll.u32 s6, $0x2;
	s11 =	ssub.s32 s9, s28;
	s31 =	sshrl.u32 s13, $0x3  }
0xe: {  	s12 =	sshrl.u32 s12, $0x3;
	s13 =	simm.s32 $0x100;
	s8 =	sadd.s32 s8, s5  }
0xf: {  	s6 =	sadd.s32 s6, s5;
	s9 =	sadd.s32 s10, s31;
	s10 =	sadd.s32 s10, s12  }
0x10: {  	s11 =	smax.u32 s11, $0x1;
	s5 =	sadd.s32 $0x600, s8;
	s8 =	sadd.s32 s30, s3  }
0x11: {  	v0 =	vimm.f32 $0.0e+00;
	v1 =	vimm.f32 $1.000000000e+00;
	s12 =	simm.s32 $0x2;
	s6 =	sadd.s32 $0xA00, s6;
	s18 =	sshrl.u32 s8, $0x3  }
.LBB2_1:
0x12: {  	[tilespmem:s4], [sflag:$0x2] =	stream.linear.gather [hbm4b:s5+s4], $0x100, $0x38;
	[tilespmem:$0x5100] =	vst v63  }
0x13: {  	_ =	swait.ge [sflag:s12], $0x100  }
0x14: {  	[sflag:s12] =	ssyncset.done $0x0  }
0x15: {  	[sflag:s12] =	ssyncadd.s32 $0xFFFFFF00  }
0x16: {  	[tilespmem:s13], [sflag:$0x1] =	stream.indirect.gather [hbm4b:s1+s13], $0x20, s4, s13, $0xb8;
	[tilespmem:$0x5100] =	vst v63  }
0x17: {  	_ =	swait.ge [sflag:s14], $0x2000  }
0x18: {  	[sflag:s14] =	ssyncset.done $0x0  }
0x19: {  	[sflag:s14] =	ssyncadd.s32 $0xFFFFE000  }
0x1a: {  	[hbm4b:s6+s4] =	stream.linear.scatter [tilespmem:s13], [sflag:$0x2], $0x2000, $0x38;
	[tilespmem:$0x5100] =	vst v63  }
0x1b: {  	_ =	swait.ge [sflag:s12], $0x2000  }
0x1c: {  	[sflag:s12] =	ssyncset.done $0x0  }
0x1d: {  	s20 =	simm.s32 $0x40;
	s21 =	simm.s32 $0x0;
	[sflag:s12] =	ssyncadd.s32 $0xFFFFE000  }
.LBB2_2:
0x1e: {  	p0 =	sne.s32 s20, $0x3FC0;
	[tilespmem:s21+$0x2100] =	vst v0;
	s21 =	smov.u32 s20;
	s20 =	sadd.s32 $0x40, s20  }
.Ltmp0:
0x1f: {  	(pc) =	sbr.rel @p0 .LBB2_2-.Ltmp0, $2  }
0x20: {  	_ =	sdelay $0x2  }
0x21: {  	s21 =	sshra.s32 s21, $0x2  }
0x22: {  	[tilespmem:s21+$0x2100] =	vst v0  }
0x23: {  	[spmem:s7] =	stream.linear.scatter [tilespmem:s15], [sflag:$0x2], $0x1000, $0x38;
	[tilespmem:$0x5100] =	vst v63  }
0x24: {  	_ =	swait.ge [sflag:s12], $0x1000  }
0x25: {  	[sflag:s12] =	ssyncset.done $0x0  }
0x26: {  	[sflag:s12] =	ssyncadd.s32 $0xFFFFF000  }
0x27: {  	[spmem:s8] =	stream.linear.scatter [tilespmem:s15], [sflag:$0x2], $0x1000, $0x38;
	[tilespmem:$0x5100] =	vst v63  }
0x28: {  	_ =	swait.ge [sflag:s12], $0x1000  }
0x29: {  	[sflag:s12] =	ssyncset.done $0x0  }
0x2a: {  	[sflag:s12] =	ssyncadd.s32 $0xFFFFF000  }
0x2b: {  	s20 =	simm.s32 $0x40;
	s21 =	simm.s32 $0x0;
	[bflag:$0x0] =	sbarrier.arrive $0xFFFF  }
.LBB2_4:
0x2c: {  	p0 =	sne.s32 s20, $0x3FC0;
	[tilespmem:s21+$0x2100] =	vst v1;
	s21 =	smov.u32 s20;
	s20 =	sadd.s32 $0x40, s20  }
.Ltmp1:
0x2d: {  	(pc) =	sbr.rel @p0 .LBB2_4-.Ltmp1, $2  }
0x2e: {  	_ =	sdelay $0x2  }
0x2f: {  	s21 =	sshra.s32 s21, $0x2  }
0x30: {  	[tilespmem:s21+$0x2100] =	vst v1  }
0x31: {  	[spmem:s3] =	stream.indirect.scatter.add.f32 [tilespmem:s15], [sflag:$0x2], $0x10, s4, s13, $0xb8;
	[tilespmem:$0x5100] =	vst v63  }
0x32: {  	_ =	swait.ge [sflag:s12], $0x1000  }
0x33: {  	[sflag:s12] =	ssyncset.done $0x0  }
0x34: {  	[sflag:s12] =	ssyncadd.s32 $0xFFFFF000  }
0x35: {  	[bflag:$0x0] =	sbarrier.arrive $0xFFFF  }
0x36: {  	[hbm:s9], [sflag:s16] =	dma.local [spmem:s17], $0x200  }
0x37: {  	s19 =	sadd.s32 $0x1, s19;
	_ =	swait.ge [sflag:s12], $0x200  }
0x38: {  	p0 =	sne.s32 s19, s11;
	[sflag:s12] =	ssyncset.done $0x0  }
.Ltmp2:
0x39: {  	[sflag:s12] =	ssyncadd.s32 $0xFFFFFE00;
	(pc) =	sbr.rel @p0 .LBB2_1-.Ltmp2, $4  }
0x3a: {  	[hbm:s10], [sflag:s16] =	dma.local [spmem:s18], $0x200  }
0x3b: {  	_ =	swait.ge [sflag:s12], $0x200  }
0x3c: {  	[sflag:s12] =	ssyncset.done $0x0  }
0x3d: {  	[sflag:s12] =	ssyncadd.s32 $0xFFFFFE00  }
0x3e: {  	_ =	sfence.sel $0x180000  }
0x3f: {  	[bflag:$0x0] =	sbarrier.arrive $0xFFFF  }
0x40: {  	p0 =	sne.s32 s2, $0x0;
	_ =	strace $0x90000047  }
0x41: {  	s0 =	sadd.s32 @!p0 $0x100000, s0;
	[bflag:$0x2] =	sbarrier.arrive $0xFFFF  }
0x42: {  	[sflag:s0] =	ssyncadd.tile.s32 @!p0 $0x1;
	_ =	shalt  }
.Lfunc_end2:
_tile_overlayer_lowered:
.L_overlay_start_2:
0x43: {  	(tag) =	ssettag $0x2  }
0x44: {  	s0 =	rddreg [dreg:$0x0];
	s2 =	stileid.u32  }
0x45: {  	s1 =	rddreg [dreg:$0x1];
	p0 =	sne.s32 s2, $0x0  }
0x46: {  	s3 =	rddreg [dreg:$0x2];
	[bflag:$0x3] =	sbarrier.arrive $0xFFFF;
	s2 =	simm.s32 @!p0 $0x1C02  }
0x47: {  	[timem:s3], [sflag:s2] =	dma.local @!p0 [hbm:s0], s1  }
0x48: {  	s0 =	simm.s32 @!p0 $0x2  }
0x49: {  	_ =	swait.ge @!p0 [sflag:s0], s1  }
0x4a: {  	s1 =	ssub.s32 @!p0 $0x0, s1;
	[sflag:s0] =	ssyncset.done @!p0 $0x0  }
0x4b: {  	[sflag:s0] =	ssyncadd.s32 @!p0 s1  }
0x4c: {  	[bflag:$0x3] =	sbarrier.arrive $0xFFFF  }
0x4d: {  	_ =	shalt  }

</sc_bundles>
